<compile_context>
chip_gen: v7x
topology: tpu7x:2x2x1
jax: 0.10.2.dev20260603
libtpu: 0.0.44.dev20260713+nightly
codegen_flags: <defaults>
</compile_context>

<pallas_src>
import functools

import jax
import jax.numpy as jnp
import numpy as np
from jax import lax
from jax.experimental import pallas as pl
from jax.experimental.pallas import tpu as pltpu
from jax.experimental.pallas import tpu_sc as plsc

_B, _T, _L = 16, 1024, 256
_DV, _DA = 768, 128
_NC, _NS = 2, 16
_NW = _NC * _NS
_RPW = _B * _L // _NW


_U32 = np.uint64(0xFFFFFFFF)


def _threefry2x32(k1: np.uint32, k2: np.uint32, x0: np.ndarray, x1: np.ndarray):
    x0 = x0.astype(np.uint64)
    x1 = x1.astype(np.uint64)
    ks = [np.uint64(k1), np.uint64(k2), np.uint64(0)]
    ks[2] = (ks[0] ^ ks[1] ^ np.uint64(0x1BD11BDA)) & _U32
    x0 = (x0 + ks[0]) & _U32
    x1 = (x1 + ks[1]) & _U32
    rot0, rot1 = (13, 15, 26, 6), (17, 29, 16, 24)

    def rounds(x0, x1, rots):
        for r in rots:
            x0 = (x0 + x1) & _U32
            x1 = ((x1 << np.uint64(r)) | (x1 >> np.uint64(32 - r))) & _U32
            x1 = x0 ^ x1
        return x0, x1

    for i, (rots, a, b) in enumerate(
        [(rot0, 1, 2), (rot1, 2, 0), (rot0, 0, 1), (rot1, 1, 2), (rot0, 2, 0)]):
        x0, x1 = rounds(x0, x1, rots)
        x0 = (x0 + ks[a]) & _U32
        x1 = (x1 + ks[b] + np.uint64(i + 1)) & _U32
    return x0.astype(np.uint32), x1.astype(np.uint32)


def _split(key: np.ndarray, n: int) -> np.ndarray:
    b1, b2 = _threefry2x32(key[0], key[1],
                           np.zeros(n, np.uint32), np.arange(n, dtype=np.uint32))
    return np.stack([b1, b2], axis=1)


def _random_bits32(key: np.ndarray, n: int) -> np.ndarray:
    b1, b2 = _threefry2x32(key[0], key[1],
                           np.zeros(n, np.uint32), np.arange(n, dtype=np.uint32))
    return b1 ^ b2


def _bootstrap_flat_indices() -> np.ndarray:
    key = np.array([0, 42], np.uint32)
    keys = _split(key, _B)
    idx = np.zeros((_B, _L), np.int32)
    for b in range(_B):
        sub = _split(keys[b], 2)
        lower = _random_bits32(sub[1], _L)
        idx[b] = np.sort((lower % np.uint32(_T)).astype(np.int32))
    flat = idx + (np.arange(_B, dtype=np.int32) * _T)[:, None]
    return flat.reshape(-1)


_FLAT_IDX = _bootstrap_flat_indices()


@functools.partial(
    pl.kernel,
    out_type=(
        jax.ShapeDtypeStruct((_B * _L, _DV), jnp.float32),
        jax.ShapeDtypeStruct((_B * _L, _DA), jnp.float32),
    ),
    mesh=plsc.VectorSubcoreMesh(core_axis_name="c", subcore_axis_name="s"),
    scratch_types=[
        pltpu.VMEM((_RPW,), jnp.int32),
        pltpu.VMEM((_RPW, _DV), jnp.float32),
        pltpu.VMEM((_RPW, _DA), jnp.float32),
        pltpu.SemaphoreType.DMA,
        pltpu.SemaphoreType.DMA,
    ],
)
def _gather_frames(video_hbm, audio_hbm, idx_hbm, vout_hbm, aout_hbm,
                   idx_v, vrows, arows, vsem, asem):
    wid = lax.axis_index("s") * _NC + lax.axis_index("c")
    base = wid * _RPW
    pltpu.sync_copy(idx_hbm.at[pl.ds(base, _RPW)], idx_v)
    vcopy = pltpu.async_copy(video_hbm.at[idx_v], vrows, vsem)
    acopy = pltpu.async_copy(audio_hbm.at[idx_v], arows, asem)
    vcopy.wait()
    pltpu.sync_copy(vrows, vout_hbm.at[pl.ds(base, _RPW)])
    acopy.wait()
    pltpu.sync_copy(arows, aout_hbm.at[pl.ds(base, _RPW)])


def kernel(video, audio):
    v2 = video.reshape(_B * _T, _DV)
    a2 = audio.reshape(_B * _T, _DA)
    flat_idx = jnp.asarray(_FLAT_IDX)
    vout, aout = _gather_frames(v2, a2, flat_idx)
    return vout.reshape(_B, _L, _DV), aout.reshape(_B, _L, _DA)

# --- scband reference (transcript-rebuilt; emitter-appended) ---
"""Pipeline reference for scband-random-frames-extractor-with-bootstrap-395136991782 (READ-ONLY COPY).

The authoritative reference and input builder live on the scoring server;
editing this copy changes nothing except your own understanding.
"""

import jax, jax.numpy as jnp
import numpy as np

LENGTH = 256


def setup_inputs(seed: int = 0) -> dict:
    key = jax.random.key(seed)
    k1, k2 = jax.random.split(key)
    video = jax.random.normal(k1, (16, 1024, 768), dtype=jnp.float32)
    audio = jax.random.normal(k2, (16, 1024, 128), dtype=jnp.float32)
    return {"video": video, "audio": audio}


def reference(video, audio):
    # Faithful translation: per-batch-element bootstrap (sampling with
    # replacement) of min(length, T) frame indices, sorted ascending,
    # then gather the same indices from both video and audio streams.
    B = video.shape[0]
    T = video.shape[1]
    L = min(LENGTH, T)
    key = jax.random.key(42)
    keys = jax.random.split(key, B)
    # np.random.choice with replacement == uniform randint over [0, T)
    idx = jax.vmap(lambda k: jnp.sort(jax.random.randint(k, (L,), 0, T)))(keys)  # [B, L] int32
    result_video = jnp.take_along_axis(video, idx[:, :, None], axis=1)  # [B, L, Dv]
    result_audio = jnp.take_along_axis(audio, idx[:, :, None], axis=1)  # [B, L, Da]
    return (result_video, result_audio)

if __name__ == "__main__":
    import jax
    _d = setup_inputs()
    print(jax.jit(kernel)(*tuple(_d.values())))

</pallas_src>

<mosaic_0001>
#map = affine_map<(d0, d1) -> (0, 0)>
#map1 = affine_map<(d0, d1) -> (0)>
module attributes {stable_mosaic.version = 14 : i64} {
  func.func @_gather_frames(%arg0: i32, %arg1: i32, %arg2: memref<16384x768xf32, #tpu.memory_space<hbm>>, %arg3: memref<16384x128xf32, #tpu.memory_space<hbm>>, %arg4: memref<4096xi32, #tpu.memory_space<hbm>>, %arg5: memref<4096x768xf32, #tpu.memory_space<hbm>>, %arg6: memref<4096x128xf32, #tpu.memory_space<hbm>>, %arg7: memref<128xi32, #tpu.memory_space<vmem>>, %arg8: memref<128x768xf32, #tpu.memory_space<vmem>>, %arg9: memref<128x128xf32, #tpu.memory_space<vmem>>, %arg10: memref<!tpu.dma_semaphore, #tpu.memory_space<semaphore_mem>>, %arg11: memref<!tpu.dma_semaphore, #tpu.memory_space<semaphore_mem>>) attributes {dimension_semantics = [#tpu.dimension_semantics<core_parallel>, #tpu.dimension_semantics<subcore_parallel>], iteration_bounds = array<i64: 2, 16>, scalar_prefetch = 0 : i64, scratch_operands = 5 : i64, tpu.core_type = #tpu.core_type<sc_vector_subcore>, window_params = [{transform_indices = #map}, {transform_indices = #map}, {transform_indices = #map1}, {transform_indices = #map}, {transform_indices = #map}]} {
    %mul3A = arith.constant 2 : i32
    %mul3A_0 = arith.muli %arg1, %mul3A : i32
    %add3A = arith.addi %mul3A_0, %arg0 : i32
    %mul3A_1 = arith.constant 128 : i32
    %mul3A_2 = arith.muli %add3A, %mul3A_1 : i32
    "tpu.region"() ({
      %run_scoped3A = tpu.sem_alloc : memref<!tpu.dma_semaphore, #tpu.memory_space<semaphore_mem>>
      %dma_start3A_13 = tpu.memref_slice %arg4[%mul3A_2] : memref<4096xi32, #tpu.memory_space<hbm>> -> memref<128xi32, #tpu.memory_space<hbm>>
      %dma_start3A_14 = tpu.memref_slice %arg4[%mul3A_2] : memref<4096xi32, #tpu.memory_space<hbm>> -> memref<128xi32, #tpu.memory_space<hbm>>
      tpu.enqueue_dma source(%dma_start3A_14 : memref<128xi32, #tpu.memory_space<hbm>>) target(%arg7 : memref<128xi32, #tpu.memory_space<vmem>>) target_semaphore(%run_scoped3A : memref<!tpu.dma_semaphore, #tpu.memory_space<semaphore_mem>>)
      %dma_wait3A_15 = tpu.memref_slice %arg4[%mul3A_2] : memref<4096xi32, #tpu.memory_space<hbm>> -> memref<128xi32, #tpu.memory_space<hbm>>
      %dma_wait3A_16 = tpu.memref_slice %arg4[%mul3A_2] : memref<4096xi32, #tpu.memory_space<hbm>> -> memref<128xi32, #tpu.memory_space<hbm>>
      tpu.wait_dma2 semaphore(%run_scoped3A : memref<!tpu.dma_semaphore, #tpu.memory_space<semaphore_mem>>) src(%dma_wait3A_16 : memref<128xi32, #tpu.memory_space<hbm>>) dst(%arg7 : memref<128xi32, #tpu.memory_space<vmem>>)
      tpu.yield
    }) : () -> ()
    %dma_start3A = arith.constant 0 : i32
    %dma_start3A_3 = arith.constant 0 : i32
    %dma_start3A_4 = tpu.memref_slice %arg2[%dma_start3A, %dma_start3A_3] : memref<16384x768xf32, #tpu.memory_space<hbm>> -> memref<16384x768xf32, #tpu.memory_space<hbm>>
    tpu.enqueue_indirect_dma source(%dma_start3A_4 : memref<16384x768xf32, #tpu.memory_space<hbm>>) target(%arg8 : memref<128x768xf32, #tpu.memory_space<vmem>>) offsets(%arg7 : memref<128xi32, #tpu.memory_space<vmem>>) semaphore(%arg10 : memref<!tpu.dma_semaphore, #tpu.memory_space<semaphore_mem>>)
    %dma_start3A_5 = arith.constant 0 : i32
    %dma_start3A_6 = arith.constant 0 : i32
    %dma_start3A_7 = tpu.memref_slice %arg3[%dma_start3A_5, %dma_start3A_6] : memref<16384x128xf32, #tpu.memory_space<hbm>> -> memref<16384x128xf32, #tpu.memory_space<hbm>>
    tpu.enqueue_indirect_dma source(%dma_start3A_7 : memref<16384x128xf32, #tpu.memory_space<hbm>>) target(%arg9 : memref<128x128xf32, #tpu.memory_space<vmem>>) offsets(%arg7 : memref<128xi32, #tpu.memory_space<vmem>>) semaphore(%arg11 : memref<!tpu.dma_semaphore, #tpu.memory_space<semaphore_mem>>)
    %dma_wait3A = arith.constant 0 : i32
    %dma_wait3A_8 = arith.constant 0 : i32
    %dma_wait3A_9 = tpu.memref_slice %arg2[%dma_wait3A, %dma_wait3A_8] : memref<16384x768xf32, #tpu.memory_space<hbm>> -> memref<16384x768xf32, #tpu.memory_space<hbm>>
    tpu.wait_indirect_dma semaphore(%arg10 : memref<!tpu.dma_semaphore, #tpu.memory_space<semaphore_mem>>) src(%dma_wait3A_9 : memref<16384x768xf32, #tpu.memory_space<hbm>>) dst(%arg8 : memref<128x768xf32, #tpu.memory_space<vmem>>)
    "tpu.region"() ({
      %run_scoped3A = tpu.sem_alloc : memref<!tpu.dma_semaphore, #tpu.memory_space<semaphore_mem>>
      %dma_start3A_13 = arith.constant 0 : i32
      %dma_start3A_14 = tpu.memref_slice %arg5[%mul3A_2, %dma_start3A_13] : memref<4096x768xf32, #tpu.memory_space<hbm>> -> memref<128x768xf32, #tpu.memory_space<hbm>>
      %dma_start3A_15 = arith.constant 0 : i32
      %dma_start3A_16 = tpu.memref_slice %arg5[%mul3A_2, %dma_start3A_15] : memref<4096x768xf32, #tpu.memory_space<hbm>> -> memref<128x768xf32, #tpu.memory_space<hbm>>
      tpu.enqueue_dma source(%arg8 : memref<128x768xf32, #tpu.memory_space<vmem>>) target(%dma_start3A_16 : memref<128x768xf32, #tpu.memory_space<hbm>>) target_semaphore(%run_scoped3A : memref<!tpu.dma_semaphore, #tpu.memory_space<semaphore_mem>>)
      %dma_wait3A_17 = arith.constant 0 : i32
      %dma_wait3A_18 = tpu.memref_slice %arg5[%mul3A_2, %dma_wait3A_17] : memref<4096x768xf32, #tpu.memory_space<hbm>> -> memref<128x768xf32, #tpu.memory_space<hbm>>
      %dma_wait3A_19 = arith.constant 0 : i32
      %dma_wait3A_20 = tpu.memref_slice %arg5[%mul3A_2, %dma_wait3A_19] : memref<4096x768xf32, #tpu.memory_space<hbm>> -> memref<128x768xf32, #tpu.memory_space<hbm>>
      tpu.wait_dma2 semaphore(%run_scoped3A : memref<!tpu.dma_semaphore, #tpu.memory_space<semaphore_mem>>) src(%arg8 : memref<128x768xf32, #tpu.memory_space<vmem>>) dst(%dma_wait3A_20 : memref<128x768xf32, #tpu.memory_space<hbm>>)
      tpu.yield
    }) : () -> ()
    %dma_wait3A_10 = arith.constant 0 : i32
    %dma_wait3A_11 = arith.constant 0 : i32
    %dma_wait3A_12 = tpu.memref_slice %arg3[%dma_wait3A_10, %dma_wait3A_11] : memref<16384x128xf32, #tpu.memory_space<hbm>> -> memref<16384x128xf32, #tpu.memory_space<hbm>>
    tpu.wait_indirect_dma semaphore(%arg11 : memref<!tpu.dma_semaphore, #tpu.memory_space<semaphore_mem>>) src(%dma_wait3A_12 : memref<16384x128xf32, #tpu.memory_space<hbm>>) dst(%arg9 : memref<128x128xf32, #tpu.memory_space<vmem>>)
    "tpu.region"() ({
      %run_scoped3A = tpu.sem_alloc : memref<!tpu.dma_semaphore, #tpu.memory_space<semaphore_mem>>
      %dma_start3A_13 = arith.constant 0 : i32
      %dma_start3A_14 = tpu.memref_slice %arg6[%mul3A_2, %dma_start3A_13] : memref<4096x128xf32, #tpu.memory_space<hbm>> -> memref<128x128xf32, #tpu.memory_space<hbm>>
      %dma_start3A_15 = arith.constant 0 : i32
      %dma_start3A_16 = tpu.memref_slice %arg6[%mul3A_2, %dma_start3A_15] : memref<4096x128xf32, #tpu.memory_space<hbm>> -> memref<128x128xf32, #tpu.memory_space<hbm>>
      tpu.enqueue_dma source(%arg9 : memref<128x128xf32, #tpu.memory_space<vmem>>) target(%dma_start3A_16 : memref<128x128xf32, #tpu.memory_space<hbm>>) target_semaphore(%run_scoped3A : memref<!tpu.dma_semaphore, #tpu.memory_space<semaphore_mem>>)
      %dma_wait3A_17 = arith.constant 0 : i32
      %dma_wait3A_18 = tpu.memref_slice %arg6[%mul3A_2, %dma_wait3A_17] : memref<4096x128xf32, #tpu.memory_space<hbm>> -> memref<128x128xf32, #tpu.memory_space<hbm>>
      %dma_wait3A_19 = arith.constant 0 : i32
      %dma_wait3A_20 = tpu.memref_slice %arg6[%mul3A_2, %dma_wait3A_19] : memref<4096x128xf32, #tpu.memory_space<hbm>> -> memref<128x128xf32, #tpu.memory_space<hbm>>
      tpu.wait_dma2 semaphore(%run_scoped3A : memref<!tpu.dma_semaphore, #tpu.memory_space<semaphore_mem>>) src(%arg9 : memref<128x128xf32, #tpu.memory_space<vmem>>) dst(%dma_wait3A_20 : memref<128x128xf32, #tpu.memory_space<hbm>>)
      tpu.yield
    }) : () -> ()
    return
  }
}

</mosaic_0001>

<sc_bundles>
// kernel: kernel.3.cloned.1.call-start
scs
__scs_entry_jumppad:
0x0: {  	(pc) =	sbr.rel $0x88, $3  }
0x1: {  	(tag) =	ssettag $0x0;
	lr =	simm.s32 $0x1  }
0x2: {  	[smem:$0x3F9F] =	sst lr;
	_ =	strace $0xD0000000  }
0x3: {  	_ = 	snop  }
0x4: {  	_ = 	snop  }
0x5: {  	_ = 	snop  }
0x6: {  	_ = 	snop  }
0x7: {  	_ = 	snop  }
__scs_overlays_trampoline_lowered:
0x8: {  	[smem:$0x3FAE] =	sst s0  }
0x9: {  	[smem:$0x3FAF] =	sst s1  }
0xa: {  	[smem:$0x3FB0] =	sst s2  }
0xb: {  	[smem:$0x3FB1] =	sst s3  }
0xc: {  	[smem:$0x3FB2] =	sst s4  }
0xd: {  	[smem:$0x3FB3] =	sst s5  }
0xe: {  	[smem:$0x3FB4] =	sst s6  }
0xf: {  	[smem:$0x3FB5] =	sst s7  }
0x10: {  	[smem:$0x3FB6] =	sst s8  }
0x11: {  	[smem:$0x3FB7] =	sst s9;
	s0 =	simm.s32 @!p0 $0x0  }
0x12: {  	s1 =	sld [smem:$0x3F9D];
	s0 =	simm.s32 @p0 $0x1  }
0x13: {  	[smem:$0x3FB8] =	sst s0;
	s0 =	simm.s32 @!p1 $0x0  }
0x14: {  	s2 =	sld [smem:$0x3F9C];
	s0 =	simm.s32 @p1 $0x1  }
0x15: {  	[smem:$0x3FB9] =	sst s0;
	s0 =	simm.s32 @!p2 $0x0  }
0x16: {  	s3 =	sld [smem:$0x3FDB];
	s0 =	simm.s32 @p2 $0x1  }
0x17: {  	s4 =	simm.s32 $0x1BF5;
	[smem:$0x3FBB] =	sst s0  }
0x18: {  	s0 =	sld [smem:$0x3F9E];
	_ =	swait.ge [sflag:s4], $0x0  }
0x19: {  	s7 =	sld [smem:$0x3F9F]  }
0x1a: {  	s8 =	sadd.s32 $0xFFFFE003, lr  }
0x1b: {  	s9 =	sadd.s32 $0xFFFFFEF7, lr;
	s5 =	simm.s32 $0xFFFFFFFF;
	p2 =	slt.u32 s8, $0xFFFFF086  }
0x1c: {  	p1 =	slt.u32 s9, $0xF7A;
	s5 =	simm.s32 @!p2 $0x0  }
0x1d: {  	s5 =	simm.s32 @p1 $0x1;
	p0 =	seq.s32 s7, s2  }
0x1e: {  	s7 =	smul.u32 @!p0 $0xF7A, s2;
	p2 =	seq.s32 @!p0 s5, $0x0  }
0x1f: {  	s9 =	smul.u32 $0xF7A, s1;
	s8 =	simm.s32 @!p0 $0x1BF5;
	p2 =	por !p2, p0  }
0x20: {  	[sflag:s8] =	ssyncset.s32 @!p0 $0xFFFFF086;
	s6 =	sadd.s32 @!p0 s3, s7;
	s7 =	simm.s32 @!p0 $0x108  }
0x21: {  	s3 =	sadd.s32 s3, s9;
	s6 =	sadd.s32 @!p0 $0x88, s6;
	s7 =	simm.s32 @p2 $0x1082  }
0x22: {  	[simem:s7], [sflag:s8] =	dma.local @!p0 [hbm:s6], $0xF7A  }
0x23: {  	s9 =	sor.u32 $0xD0000000, s2;
	s6 =	simm.s32 $0x108;
	_ =	swait.ge @!p0 [sflag:s8], $0x0  }
0x24: {  	s3 =	sadd.s32 $0x88, s3;
	s6 =	simm.s32 @!p1 $0x1082;
	[sflag:s4] =	ssyncset.s32 $0xFFFFF086  }
0x25: {  	[simem:s6], [sflag:s4] =	dma.local [hbm:s3], $0xF7A  }
0x26: {  	[smem:$0x3F9F] =	sst s1;
	(tag) =	ssettag s2;
	_ =	strace s9  }
0x27: {  	s1 =	sld [smem:$0x3FAF]  }
0x28: {  	s2 =	sld [smem:$0x3FB0]  }
0x29: {  	s4 =	sld [smem:$0x3FB2]  }
0x2a: {  	p0 =	seq.s32 s5, $0x0;
	s5 =	sld [smem:$0x3FB3]  }
0x2b: {  	s6 =	sld [smem:$0x3FB4]  }
0x2c: {  	s7 =	sld [smem:$0x3FB5]  }
0x2d: {  	s3 =	simm.s32 $0x108;
	s8 =	sld [smem:$0x3FB6]  }
0x2e: {  	s3 =	simm.s32 @!p0 $0x1082;
	s9 =	sld [smem:$0x3FB7]  }
0x2f: {  	lr =	sadd.s32 s0, s3;
	s0 =	sld [smem:$0x3FAE]  }
0x30: {  	s3 =	sld [smem:$0x3FB1]  }
0x31: {  	[smem:$0x3FBA] =	sst s10  }
0x32: {  	s10 =	sld [smem:$0x3FB8];
	_ =	sdelay $0x3  }
0x33: {  	p0 =	seq.s32 s10, $0x1;
	s10 =	sld [smem:$0x3FBA];
	_ =	sdelay $0x3  }
0x34: {  	[smem:$0x3FBA] =	sst s10  }
0x35: {  	s10 =	sld [smem:$0x3FB9];
	_ =	sdelay $0x3  }
0x36: {  	p1 =	seq.s32 s10, $0x1;
	s10 =	sld [smem:$0x3FBA];
	_ =	sdelay $0x3  }
0x37: {  	[smem:$0x3FBA] =	sst s10  }
0x38: {  	s10 =	sld [smem:$0x3FBB]  }
0x39: {  	_ = 	snop;
	(pc) =	sbr.ind lr, $3  }
0x3a: {  	_ = 	snop  }
0x3b: {  	_ = 	snop  }
0x3c: {  	p2 =	seq.s32 s10, $0x1;
	s10 =	sld [smem:$0x3FBA]  }
0x3d: {  	_ =	shalt  }
0x3e: {  	_ =	shalt  }
0x3f: {  	_ =	shalt  }
0x40: {  	_ =	shalt  }
0x41: {  	_ =	shalt  }
0x42: {  	_ =	shalt  }
0x43: {  	_ =	shalt  }
0x44: {  	_ =	shalt  }
0x45: {  	_ =	shalt  }
0x46: {  	_ =	shalt  }
0x47: {  	_ =	shalt  }
0x48: {  	_ =	shalt  }
0x49: {  	_ =	shalt  }
0x4a: {  	_ =	shalt  }
0x4b: {  	_ =	shalt  }
0x4c: {  	_ =	shalt  }
0x4d: {  	_ =	shalt  }
0x4e: {  	_ =	shalt  }
0x4f: {  	_ =	shalt  }
0x50: {  	_ =	shalt  }
0x51: {  	_ =	shalt  }
0x52: {  	_ =	shalt  }
0x53: {  	_ =	shalt  }
0x54: {  	_ =	shalt  }
0x55: {  	_ =	shalt  }
0x56: {  	_ =	shalt  }
0x57: {  	_ =	shalt  }
0x58: {  	_ =	shalt  }
0x59: {  	_ =	shalt  }
0x5a: {  	_ =	shalt  }
0x5b: {  	_ =	shalt  }
0x5c: {  	_ =	shalt  }
0x5d: {  	_ =	shalt  }
0x5e: {  	_ =	shalt  }
0x5f: {  	_ =	shalt  }
0x60: {  	_ =	shalt  }
0x61: {  	_ =	shalt  }
0x62: {  	_ =	shalt  }
0x63: {  	_ =	shalt  }
0x64: {  	_ =	shalt  }
0x65: {  	_ =	shalt  }
0x66: {  	_ =	shalt  }
0x67: {  	_ =	shalt  }
0x68: {  	_ =	shalt  }
0x69: {  	_ =	shalt  }
0x6a: {  	_ =	shalt  }
0x6b: {  	_ =	shalt  }
0x6c: {  	_ =	shalt  }
0x6d: {  	_ =	shalt  }
0x6e: {  	_ =	shalt  }
0x6f: {  	_ =	shalt  }
0x70: {  	_ =	shalt  }
0x71: {  	_ =	shalt  }
0x72: {  	_ =	shalt  }
0x73: {  	_ =	shalt  }
0x74: {  	_ =	shalt  }
0x75: {  	_ =	shalt  }
0x76: {  	_ =	shalt  }
0x77: {  	_ =	shalt  }
0x78: {  	_ =	shalt  }
0x79: {  	_ =	shalt  }
0x7a: {  	_ =	shalt  }
0x7b: {  	_ =	shalt  }
0x7c: {  	_ =	shalt  }
0x7d: {  	_ =	shalt  }
0x7e: {  	_ =	shalt  }
0x7f: {  	_ =	shalt  }
0x80: {  	_ =	shalt  }
0x81: {  	_ =	shalt  }
0x82: {  	_ =	shalt  }
0x83: {  	_ =	shalt  }
0x84: {  	_ =	shalt  }
0x85: {  	_ =	shalt  }
0x86: {  	_ =	shalt  }
0x87: {  	_ =	shalt  }
.Lfunc_end0:
.L_simem_size_0:
called_computation_lowered:
.L_overlay_start_0:
0x88: {  	s2 =	sld [smem:$0x3FD9]  }
0x89: {  	s3 =	sld [smem:$0x3FFE];
	_ =	sdelay $0x1  }
0x8a: {  	s1 =	srdreg.scid  }
0x8b: {  	s0 =	sand.u32 $0x1, s1  }
0x8c: {  	s14 =	sshll.u32 s0, $0xA;
	s2 =	sadd.s32 s3, s2  }
0x8d: {  	s2 =	sadd.s32 s2, s14  }
0x8e: {  	[smem:$0x3FC6] =	sst s2  }
0x8f: {  	_ = 	snop  }
0x90: {  	s2 =	sld [smem:$0x3FD0];
	_ =	sdelay $0x1  }
0x91: {  	s15 =	sld [smem:$0x3FC9]  }
0x92: {  	s5 =	simm.s32 $0xA;
	s6 =	simm.s32 $0x10;
	s4 =	sld [smem:$0x3FC8]  }
0x93: {  	[smem:s6], [sflag:s5] =	dma.local [hbm:s2], $0x1  }
0x94: {  	_ =	swait.eq [sflag:s5], $0x1  }
0x95: {  	[sflag:s5] =	ssyncset.done $0x0  }
0x96: {  	s16 =	sld [smem:$0x10];
	[sflag:s5] =	ssyncadd.s32 $0xFFFFFFFF  }
0x97: {  	s17 =	sld [smem:$0x11];
	(tm) =	ssettm $0x1  }
0x98: {  	s18 =	sld [smem:$0x3FFB];
	_ =	sdelay $0x3  }
0x99: {  	_ =	strace s18  }
0x9a: {  	s6 =	sld [smem:$0x3FFC];
	_ =	sdelay $0x3  }
0x9b: {  	_ =	strace s6  }
0x9c: {  	s6 =	sld [smem:$0x3FFD];
	_ =	sdelay $0x3  }
0x9d: {  	_ =	strace s6  }
0x9e: {  	_ =	strace $0x8FFFFFFF  }
0x9f: {  	s19 =	sld [smem:$0x3FDB];
	_ =	sdelay $0x1  }
0xa0: {  	s7 =	simm.s32 $_scs_section_size  }
0xa1: {  	s8 =	simm.s32 $_size__tile_overlayer_lowered;
	s9 =	simm.s32 $_tile_overlayer_lowered  }
0xa2: {  	s22 =	simm.s32 $0x1BFF;
	s21 =	sshll.u32 s9, $0x1;
	s6 =	sadd.s32 s7, s19  }
0xa3: {  	s10 =	simm.s32 $0x0;
	s20 =	sshll.u32 s8, $0x1;
	s8 =	sadd.s32 s21, s6  }
0xa4: {  	[timem:s10], [sflag:s22] =	dma.local [hbm:s8], s20  }
0xa5: {  	_ =	swait.ge [sflag:s22], s20  }
0xa6: {  	s7 =	ssub.s32 $0x0, s20;
	[sflag:s22] =	ssyncset.done $0x0  }
0xa7: {  	[sflag:s22] =	ssyncadd.s32 s7;
	_ =	sdelay $0x1  }
0xa8: {  	s23 =	simm.s32 $0x1B8B  }
0xa9: {  	_ =	swait.ge [sflag:s23], $0x1  }
0xaa: {  	[sflag:s23] =	ssyncset.done $0x0  }
0xab: {  	s25 =	simm.s32 $0x1B8E;
	s24 =	sld [smem:$0x3FFE];
	[sflag:s23] =	ssyncadd.s32 $0xFFFFFFFF  }
0xac: {  	s26 =	simm.s32 $execute0_lowered;
	[smem:$0x3FD2] =	sst s25  }
0xad: {  	s8 =	sshll.u32 s26, $0x1;
	_ =	strace $0x80000046;
	[dreg:$0x1] =	wrdreg $0xFFFFFFFF  }
0xae: {  	s28 =	simm.s32 $_size_execute0_lowered;
	s6 =	sadd.s32 s6, s8;
	[dreg:$0x0] =	wrdreg $0x0  }
0xaf: {  	s8 =	sshll.u32 s28, $0x1;
	[dreg:$0x2] =	wrdreg s6  }
0xb0: {  	[dreg:$0x3] =	wrdreg s8  }
0xb1: {  	[dreg:$0x4] =	wrdreg $0xC0  }
0xb2: {  	_ =	task [dreg:s10], $0x5FFFF  }
0xb3: {  	[dreg:$0x1] =	wrdreg $0xFFFFFFFF  }
0xb4: {  	[dreg:$0x0] =	wrdreg $0x60  }
0xb5: {  	[dreg:$0x2] =	wrdreg s15  }
0xb6: {  	[dreg:$0x3] =	wrdreg s4  }
0xb7: {  	[dreg:$0x4] =	wrdreg s24  }
0xb8: {  	[dreg:$0x5] =	wrdreg s16  }
0xb9: {  	[dreg:$0x6] =	wrdreg s17  }
0xba: {  	[dreg:$0x7] =	wrdreg $0x9  }
0xbb: {  	_ =	task.clear_ibuf [dreg:s10], $0x8FFFF;
	_ =	strace $0x90000046  }
0xbc: {  	s29 =	simm.s32 $0x9;
	_ =	strace $0x80000048  }
0xbd: {  	_ =	swait.ge [sflag:s29], $0x1  }
0xbe: {  	[sflag:s29] =	ssyncadd.s32 $0xFFFFFFFF  }
0xbf: {  	_ =	strace $0x90000048  }
0xc0: {  	_ =	sfence  }
0xc1: {  	s30 =	sld [smem:$0x0];
	_ =	sdelay $0x2  }
0xc2: {  	s31 =	sshll.u32 s1, $0xD;
	s1 =	sshrl.u32 s1, $0x2  }
0xc3: {  	s3 =	sand.u32 $0x4000, s31;
	s1 =	sadd.s32 s1, s30  }
0xc4: {  	s0 =	sor.u32 s3, s0;
	s1 =	sshll.u32 s1, $0x11  }
0xc5: {  	s0 =	sor.u32 s1, s0  }
0xc6: {  	s0 =	sadd.s32 $0x8F2B, s0  }
0xc7: {  	[sflag:s0] =	ssyncadd.remote.s32 $0x1  }
0xc8: {  	_ =	sfence.sel $0xFFFF  }
0xc9: {  	[dreg:$0x0] =	wrdreg $0xFFFFFFFF;
	(pc) =	sbr.abs _section_cstart, $3  }
0xca: {  	[dreg:$0x1] =	wrdreg $0xFFFFFFFF  }
0xcb: {  	_ =	task.clear_ibuf [dreg:s10], $0x2FFFF;
	_ =	strace $0x9FFFFFFF  }
0xcc: {  	(tm) =	ssettm $0x7FFFFFFF  }
0xcd: {  	_ =	shalt  }
tec
execute0_lowered:
.L_overlay_start_1:
0x0: {  	(tag) =	ssettag $0x1  }
0x1: {  	s0 =	rddreg [dreg:$0x0]  }
0x2: {  	s1 =	rddreg [dreg:$0x1]  }
0x3: {  	s2 =	srdreg.scid;
	s4 =	rddreg [dreg:$0x2]  }
0x4: {  	s18 =	stileid.u32;
	s5 =	rddreg [dreg:$0x3];
	s2 =	sand.u32 $0x1, s2  }
0x5: {  	s7 =	rddreg [dreg:$0x4];
	s3 =	sshll.u32 s18, $0x8;
	s6 =	sshll.u32 s2, $0x7  }
0x6: {  	[dreg:$0x6] =	wrdreg s1;
	s6 =	sor.u32 s6, s3;
	s3 =	simm.s32 $0x0  }
0x7: {  	s22 =	simm.s32 $0x880;
	[smem:$0x7FF] =	sst s3  }
0x8: {  	s23 =	simm.s32 $0x1080;
	_ =	strace $0x80000047;
	[dreg:$0xa] =	wrdreg s22  }
0x9: {  	s24 =	simm.s32 $0x1880;
	[dreg:$0xb] =	wrdreg s23  }
0xa: {  	s25 =	simm.s32 $0x2080;
	[dreg:$0xc] =	wrdreg s24  }
0xb: {  	s26 =	simm.s32 $0x2880;
	[dreg:$0xd] =	wrdreg s25  }
0xc: {  	s1 =	simm.s32 $0x3080;
	s8 =	sshrl.u32 s6, $0x3;
	[dreg:$0xe] =	wrdreg s26  }
0xd: {  	s20 =	sshll.u32 s6, $0x4;
	s6 =	simm.s32 $0x4080;
	[dreg:$0xf] =	wrdreg s1  }
0xe: {  	s9 =	simm.s32 $0x5880;
	[dreg:$0x11] =	wrdreg s6  }
0xf: {  	s10 =	simm.s32 $0x6080;
	[dreg:$0x14] =	wrdreg s9  }
0x10: {  	s11 =	simm.s32 $0x6880;
	s12 =	simm.s32 $0x7080;
	[dreg:$0x15] =	wrdreg s10  }
0x11: {  	s13 =	simm.s32 $0x7880;
	s14 =	simm.s32 $0x8080;
	[dreg:$0x16] =	wrdreg s11  }
0x12: {  	s15 =	simm.s32 $0x8880;
	s16 =	simm.s32 $0x9080;
	[dreg:$0x17] =	wrdreg s12  }
0x13: {  	s17 =	simm.s32 $0x9880;
	s28 =	simm.s32 $0x17080;
	[dreg:$0x18] =	wrdreg s13  }
0x14: {  	s29 =	simm.s32 $0x17880;
	s30 =	simm.s32 $0x18080;
	[dreg:$0x19] =	wrdreg s14  }
0x15: {  	s31 =	simm.s32 $0x1;
	s18 =	simm.s32 $0xA080;
	[dreg:$0x1a] =	wrdreg s15  }
0x16: {  	s2 =	ssub.s32 $0x2, s2;
	s4 =	sadd.s32 s8, s4;
	[dreg:$0x1b] =	wrdreg s16  }
0x17: {  	s8 =	smul.u32 $0x300, s8;
	s21 =	sadd.s32 s7, s20;
	[dreg:$0x1c] =	wrdreg s17  }
0x18: {  	s7 =	simm.s32 $0x4880;
	[dreg:$0x1d] =	wrdreg s18;
	s20 =	simm.s32 $0xA880  }
0x19: {  	s22 =	simm.s32 $0xB880;
	s23 =	simm.s32 $0xC080;
	s24 =	simm.s32 $0xC880  }
0x1a: {  	s25 =	simm.s32 $0xD080;
	s26 =	simm.s32 $0xD880;
	[dreg:$0x9] =	wrdreg s21  }
0x1b: {  	s10 =	simm.s32 $0xE880;
	s11 =	simm.s32 $0xF080;
	[dreg:$0x12] =	wrdreg s7  }
0x1c: {  	s12 =	simm.s32 $0xF880;
	s13 =	simm.s32 $0x10080;
	[dreg:$0x1e] =	wrdreg s20  }
0x1d: {  	s14 =	simm.s32 $0x10880;
	s15 =	simm.s32 $0x11080;
	[smem:$0x7F9] =	sst s22  }
0x1e: {  	s16 =	simm.s32 $0x11880;
	s17 =	simm.s32 $0x12080;
	[smem:$0x7FA] =	sst s23  }
0x1f: {  	s18 =	simm.s32 $0x12880;
	s4 =	sadd.s32 $0x800, s4;
	[smem:$0x7FB] =	sst s24  }
0x20: {  	s21 =	simm.s32 $0xB080;
	s7 =	simm.s32 $0x3;
	[smem:$0x7FC] =	sst s25  }
0x21: {  	[smem:$0x7FD] =	sst s26;
	s20 =	simm.s32 $0x13880;
	s22 =	simm.s32 $0x14880  }
0x22: {  	s23 =	simm.s32 $0x15080;
	s24 =	simm.s32 $0x15880;
	[dreg:$0x7] =	wrdreg s4  }
0x23: {  	s25 =	simm.s32 $0x16080;
	s19 =	sadd.s32 s5, s8;
	[dreg:$0x1f] =	wrdreg s21  }
0x24: {  	s26 =	simm.s32 $0x16880;
	s5 =	simm.s32 $0x3880;
	[dreg:$0x8] =	wrdreg s19  }
0x25: {  	s8 =	simm.s32 $0x5080;
	s4 =	sadd.s32 $0x100, s0;
	[dreg:$0x10] =	wrdreg s5  }
0x26: {  	v2 =	vlaneseq.u32;
	s21 =	simm.s32 $0x14080;
	[dreg:$0x13] =	wrdreg s8;
	s19 =	sshrl.u32 s2, $0x1  }
0x27: {  	vm0 =	vmmov $0xffff;
	v1 =	vshrl.u32 v2, $0x3;
	s5 =	sadd.s32 $0x200, s0;
	s8 =	simm.s32 $0x80;
	s2 =	ssub.s32 s2, s19  }
0x28: {  	v0 =	vand.u32 $0x7, v2;
	v2 =	vor.u32 $0x8, v2;
	v1 =	vmul.u32 $0x8, v1;
	s19 =	simm.s32 $0x13080;
	s6 =	smax.u32 s2, $0x1;
	s2 =	simm.s32 $0x2  }
.LBB2_1:
0x29: {  	s1 =	rddreg [dreg:$0x7]  }
0x2a: {  	[tilespmem:s3], [sflag:$0x3] =	stream.linear.gather [hbm4b:s1+s3], $0x80, $0x38;
	[tilespmem:$0x1C080] =	vst v63  }
0x2b: {  	_ =	swait.ge [sflag:s7], $0x80  }
0x2c: {  	[sflag:s7] =	ssyncset.done $0x0  }
0x2d: {  	[sflag:s7] =	ssyncadd.s32 $0xFFFFFF80  }
0x2e: {  	v3 =	vld [tilespmem:$0x0];
	_ =	sdelay $0x4  }
0x2f: {  	v4 =	vshrl.u32 v3, $0x3  }
0x30: {  	v4 =	vmul.u32 $0x30, v4  }
0x31: {  	v3 =	vand.u32 $0x7, v3  }
0x32: {  	v3 =	vor.u32 v3, v4  }
0x33: {  	v4 =	vperm.xlane v3, v0;
	_ =	sdelay $0x1  }
0x34: {  	v4 =	vadd.s32 v1, v4;
	_ =	sdelay $0x3  }
0x35: {  	v3 =	vperm.xlane v3, v2  }
0x36: {  	[tilespmem:s8], [sflag:$0x1] =	stream.indirect_vreg.gather [hbm4b:s0+s3], $0x80, v4, vm0, $0xb8;
	[tilespmem:$0x1C080] =	vst v63  }
0x37: {  	s1 =	rddreg [dreg:$0xa];
	v3 =	vadd.s32 v1, v3  }
0x38: {  	[tilespmem:s1], [sflag:$0x1] =	stream.indirect_vreg.gather [hbm4b:s4+s3], $0x80, v4, vm0, $0xb8;
	[tilespmem:$0x1C080] =	vst v63  }
0x39: {  	s9 =	rddreg [dreg:$0xb]  }
0x3a: {  	[tilespmem:s9], [sflag:$0x1] =	stream.indirect_vreg.gather [hbm4b:s5+s3], $0x80, v4, vm0, $0xb8;
	[tilespmem:$0x1C080] =	vst v63  }
0x3b: {  	s1 =	rddreg [dreg:$0xc]  }
0x3c: {  	[tilespmem:s1], [sflag:$0x1] =	stream.indirect_vreg.gather [hbm4b:s0+s3], $0x80, v3, vm0, $0xb8;
	[tilespmem:$0x1C080] =	vst v63  }
0x3d: {  	s9 =	rddreg [dreg:$0xd]  }
0x3e: {  	[tilespmem:s9], [sflag:$0x1] =	stream.indirect_vreg.gather [hbm4b:s4+s3], $0x80, v3, vm0, $0xb8;
	[tilespmem:$0x1C080] =	vst v63  }
0x3f: {  	s1 =	rddreg [dreg:$0xe]  }
0x40: {  	[tilespmem:s1], [sflag:$0x1] =	stream.indirect_vreg.gather [hbm4b:s5+s3], $0x80, v3, vm0, $0xb8;
	[tilespmem:$0x1C080] =	vst v63  }
0x41: {  	v3 =	vld [tilespmem:$0x10];
	_ =	sdelay $0x4  }
0x42: {  	v57 =	vshrl.u32 v3, $0x3  }
0x43: {  	v4 =	vmul.u32 $0x30, v57  }
0x44: {  	v3 =	vand.u32 $0x7, v3  }
0x45: {  	v3 =	vor.u32 v3, v4  }
0x46: {  	v4 =	vperm.xlane v3, v0;
	_ =	sdelay $0x1  }
0x47: {  	v4 =	vadd.s32 v1, v4;
	_ =	sdelay $0x3  }
0x48: {  	s1 =	rddreg [dreg:$0xf];
	v3 =	vperm.xlane v3, v2  }
0x49: {  	[tilespmem:s1], [sflag:$0x1] =	stream.indirect_vreg.gather [hbm4b:s0+s3], $0x80, v4, vm0, $0xb8;
	[tilespmem:$0x1C080] =	vst v63  }
0x4a: {  	s9 =	rddreg [dreg:$0x10];
	v3 =	vadd.s32 v1, v3  }
0x4b: {  	[tilespmem:s9], [sflag:$0x1] =	stream.indirect_vreg.gather [hbm4b:s4+s3], $0x80, v4, vm0, $0xb8;
	[tilespmem:$0x1C080] =	vst v63  }
0x4c: {  	s1 =	rddreg [dreg:$0x11]  }
0x4d: {  	[tilespmem:s1], [sflag:$0x1] =	stream.indirect_vreg.gather [hbm4b:s5+s3], $0x80, v4, vm0, $0xb8;
	[tilespmem:$0x1C080] =	vst v63  }
0x4e: {  	s9 =	rddreg [dreg:$0x12]  }
0x4f: {  	[tilespmem:s9], [sflag:$0x1] =	stream.indirect_vreg.gather [hbm4b:s0+s3], $0x80, v3, vm0, $0xb8;
	[tilespmem:$0x1C080] =	vst v63  }
0x50: {  	s1 =	rddreg [dreg:$0x13]  }
0x51: {  	[tilespmem:s1], [sflag:$0x1] =	stream.indirect_vreg.gather [hbm4b:s4+s3], $0x80, v3, vm0, $0xb8;
	[tilespmem:$0x1C080] =	vst v63  }
0x52: {  	s9 =	rddreg [dreg:$0x14]  }
0x53: {  	[tilespmem:s9], [sflag:$0x1] =	stream.indirect_vreg.gather [hbm4b:s5+s3], $0x80, v3, vm0, $0xb8;
	[tilespmem:$0x1C080] =	vst v63  }
0x54: {  	v3 =	vld [tilespmem:$0x20];
	_ =	sdelay $0x4  }
0x55: {  	v58 =	vshrl.u32 v3, $0x3  }
0x56: {  	v4 =	vmul.u32 $0x30, v58  }
0x57: {  	v3 =	vand.u32 $0x7, v3  }
0x58: {  	v3 =	vor.u32 v3, v4  }
0x59: {  	v4 =	vperm.xlane v3, v0;
	_ =	sdelay $0x1  }
0x5a: {  	v4 =	vadd.s32 v1, v4;
	_ =	sdelay $0x3  }
0x5b: {  	s1 =	rddreg [dreg:$0x15];
	v3 =	vperm.xlane v3, v2  }
0x5c: {  	[tilespmem:s1], [sflag:$0x1] =	stream.indirect_vreg.gather [hbm4b:s0+s3], $0x80, v4, vm0, $0xb8;
	[tilespmem:$0x1C080] =	vst v63  }
0x5d: {  	s9 =	rddreg [dreg:$0x16];
	v3 =	vadd.s32 v1, v3  }
0x5e: {  	[tilespmem:s9], [sflag:$0x1] =	stream.indirect_vreg.gather [hbm4b:s4+s3], $0x80, v4, vm0, $0xb8;
	[tilespmem:$0x1C080] =	vst v63  }
0x5f: {  	s1 =	rddreg [dreg:$0x17]  }
0x60: {  	[tilespmem:s1], [sflag:$0x1] =	stream.indirect_vreg.gather [hbm4b:s5+s3], $0x80, v4, vm0, $0xb8;
	[tilespmem:$0x1C080] =	vst v63  }
0x61: {  	s9 =	rddreg [dreg:$0x18]  }
0x62: {  	[tilespmem:s9], [sflag:$0x1] =	stream.indirect_vreg.gather [hbm4b:s0+s3], $0x80, v3, vm0, $0xb8;
	[tilespmem:$0x1C080] =	vst v63  }
0x63: {  	s1 =	rddreg [dreg:$0x19]  }
0x64: {  	[tilespmem:s1], [sflag:$0x1] =	stream.indirect_vreg.gather [hbm4b:s4+s3], $0x80, v3, vm0, $0xb8;
	[tilespmem:$0x1C080] =	vst v63  }
0x65: {  	s9 =	rddreg [dreg:$0x1a]  }
0x66: {  	[tilespmem:s9], [sflag:$0x1] =	stream.indirect_vreg.gather [hbm4b:s5+s3], $0x80, v3, vm0, $0xb8;
	[tilespmem:$0x1C080] =	vst v63  }
0x67: {  	v3 =	vld [tilespmem:$0x30];
	_ =	sdelay $0x4  }
0x68: {  	v59 =	vshrl.u32 v3, $0x3  }
0x69: {  	v4 =	vmul.u32 $0x30, v59  }
0x6a: {  	v3 =	vand.u32 $0x7, v3  }
0x6b: {  	v3 =	vor.u32 v3, v4  }
0x6c: {  	v4 =	vperm.xlane v3, v0;
	_ =	sdelay $0x1  }
0x6d: {  	v4 =	vadd.s32 v1, v4;
	_ =	sdelay $0x2  }
0x6e: {  	s1 =	rddreg [dreg:$0x1b]  }
0x6f: {  	s9 =	rddreg [dreg:$0x1c];
	v3 =	vperm.xlane v3, v2  }
0x70: {  	[tilespmem:s1], [sflag:$0x1] =	stream.indirect_vreg.gather [hbm4b:s0+s3], $0x80, v4, vm0, $0xb8;
	[tilespmem:$0x1C080] =	vst v63  }
0x71: {  	v3 =	vadd.s32 v1, v3;
	s1 =	rddreg [dreg:$0x1d]  }
0x72: {  	[tilespmem:s9], [sflag:$0x1] =	stream.indirect_vreg.gather [hbm4b:s4+s3], $0x80, v4, vm0, $0xb8;
	[tilespmem:$0x1C080] =	vst v63  }
0x73: {  	s9 =	rddreg [dreg:$0x1e]  }
0x74: {  	[tilespmem:s1], [sflag:$0x1] =	stream.indirect_vreg.gather [hbm4b:s5+s3], $0x80, v4, vm0, $0xb8;
	[tilespmem:$0x1C080] =	vst v63  }
0x75: {  	s1 =	rddreg [dreg:$0x1f]  }
0x76: {  	[tilespmem:s9], [sflag:$0x1] =	stream.indirect_vreg.gather [hbm4b:s0+s3], $0x80, v3, vm0, $0xb8;
	[tilespmem:$0x1C080] =	vst v63  }
0x77: {  	s9 =	sld [smem:$0x7F9]  }
0x78: {  	[tilespmem:s1], [sflag:$0x1] =	stream.indirect_vreg.gather [hbm4b:s4+s3], $0x80, v3, vm0, $0xb8;
	[tilespmem:$0x1C080] =	vst v63  }
0x79: {  	_ = 	snop  }
0x7a: {  	[tilespmem:s9], [sflag:$0x1] =	stream.indirect_vreg.gather [hbm4b:s5+s3], $0x80, v3, vm0, $0xb8;
	[tilespmem:$0x1C080] =	vst v63  }
0x7b: {  	v3 =	vld [tilespmem:$0x40];
	_ =	sdelay $0x4  }
0x7c: {  	v60 =	vshrl.u32 v3, $0x3  }
0x7d: {  	v4 =	vmul.u32 $0x30, v60  }
0x7e: {  	v3 =	vand.u32 $0x7, v3  }
0x7f: {  	v3 =	vor.u32 v3, v4  }
0x80: {  	v4 =	vperm.xlane v3, v0;
	_ =	sdelay $0x1  }
0x81: {  	v4 =	vadd.s32 v1, v4;
	_ =	sdelay $0x1  }
0x82: {  	s1 =	sld [smem:$0x7FA];
	_ =	sdelay $0x1  }
0x83: {  	s9 =	sld [smem:$0x7FB];
	v3 =	vperm.xlane v3, v2  }
0x84: {  	[tilespmem:s1], [sflag:$0x1] =	stream.indirect_vreg.gather [hbm4b:s0+s3], $0x80, v4, vm0, $0xb8;
	[tilespmem:$0x1C080] =	vst v63  }
0x85: {  	v3 =	vadd.s32 v1, v3;
	s1 =	sld [smem:$0x7FC]  }
0x86: {  	[tilespmem:s9], [sflag:$0x1] =	stream.indirect_vreg.gather [hbm4b:s4+s3], $0x80, v4, vm0, $0xb8;
	[tilespmem:$0x1C080] =	vst v63  }
0x87: {  	s9 =	sld [smem:$0x7FD]  }
0x88: {  	[tilespmem:s1], [sflag:$0x1] =	stream.indirect_vreg.gather [hbm4b:s5+s3], $0x80, v4, vm0, $0xb8;
	[tilespmem:$0x1C080] =	vst v63  }
0x89: {  	_ = 	snop  }
0x8a: {  	[tilespmem:s9], [sflag:$0x1] =	stream.indirect_vreg.gather [hbm4b:s0+s3], $0x80, v3, vm0, $0xb8;
	[tilespmem:$0x1C080] =	vst v63  }
0x8b: {  	s9 =	simm.s32 $0xE080  }
0x8c: {  	[tilespmem:s9], [sflag:$0x1] =	stream.indirect_vreg.gather [hbm4b:s4+s3], $0x80, v3, vm0, $0xb8;
	[tilespmem:$0x1C080] =	vst v63  }
0x8d: {  	_ = 	snop  }
0x8e: {  	[tilespmem:s10], [sflag:$0x1] =	stream.indirect_vreg.gather [hbm4b:s5+s3], $0x80, v3, vm0, $0xb8;
	[tilespmem:$0x1C080] =	vst v63  }
0x8f: {  	v3 =	vld [tilespmem:$0x50];
	_ =	sdelay $0x4  }
0x90: {  	v61 =	vshrl.u32 v3, $0x3  }
0x91: {  	v4 =	vmul.u32 $0x30, v61  }
0x92: {  	v3 =	vand.u32 $0x7, v3  }
0x93: {  	v3 =	vor.u32 v3, v4  }
0x94: {  	v4 =	vperm.xlane v3, v0;
	_ =	sdelay $0x1  }
0x95: {  	v4 =	vadd.s32 v1, v4;
	_ =	sdelay $0x3  }
0x96: {  	v3 =	vperm.xlane v3, v2  }
0x97: {  	[tilespmem:s11], [sflag:$0x1] =	stream.indirect_vreg.gather [hbm4b:s0+s3], $0x80, v4, vm0, $0xb8;
	[tilespmem:$0x1C080] =	vst v63  }
0x98: {  	v3 =	vadd.s32 v1, v3  }
0x99: {  	[tilespmem:s12], [sflag:$0x1] =	stream.indirect_vreg.gather [hbm4b:s4+s3], $0x80, v4, vm0, $0xb8;
	[tilespmem:$0x1C080] =	vst v63  }
0x9a: {  	_ = 	snop  }
0x9b: {  	[tilespmem:s13], [sflag:$0x1] =	stream.indirect_vreg.gather [hbm4b:s5+s3], $0x80, v4, vm0, $0xb8;
	[tilespmem:$0x1C080] =	vst v63  }
0x9c: {  	_ = 	snop  }
0x9d: {  	[tilespmem:s14], [sflag:$0x1] =	stream.indirect_vreg.gather [hbm4b:s0+s3], $0x80, v3, vm0, $0xb8;
	[tilespmem:$0x1C080] =	vst v63  }
0x9e: {  	_ = 	snop  }
0x9f: {  	[tilespmem:s15], [sflag:$0x1] =	stream.indirect_vreg.gather [hbm4b:s4+s3], $0x80, v3, vm0, $0xb8;
	[tilespmem:$0x1C080] =	vst v63  }
0xa0: {  	_ = 	snop  }
0xa1: {  	[tilespmem:s16], [sflag:$0x1] =	stream.indirect_vreg.gather [hbm4b:s5+s3], $0x80, v3, vm0, $0xb8;
	[tilespmem:$0x1C080] =	vst v63  }
0xa2: {  	v3 =	vld [tilespmem:$0x60];
	_ =	sdelay $0x4  }
0xa3: {  	v62 =	vshrl.u32 v3, $0x3  }
0xa4: {  	v4 =	vmul.u32 $0x30, v62  }
0xa5: {  	v3 =	vand.u32 $0x7, v3  }
0xa6: {  	v3 =	vor.u32 v3, v4  }
0xa7: {  	v4 =	vperm.xlane v3, v0;
	_ =	sdelay $0x1  }
0xa8: {  	v4 =	vadd.s32 v1, v4;
	_ =	sdelay $0x3  }
0xa9: {  	v3 =	vperm.xlane v3, v2  }
0xaa: {  	[tilespmem:s17], [sflag:$0x1] =	stream.indirect_vreg.gather [hbm4b:s0+s3], $0x80, v4, vm0, $0xb8;
	[tilespmem:$0x1C080] =	vst v63  }
0xab: {  	v3 =	vadd.s32 v1, v3  }
0xac: {  	[tilespmem:s18], [sflag:$0x1] =	stream.indirect_vreg.gather [hbm4b:s4+s3], $0x80, v4, vm0, $0xb8;
	[tilespmem:$0x1C080] =	vst v63  }
0xad: {  	_ = 	snop  }
0xae: {  	[tilespmem:s19], [sflag:$0x1] =	stream.indirect_vreg.gather [hbm4b:s5+s3], $0x80, v4, vm0, $0xb8;
	[tilespmem:$0x1C080] =	vst v63  }
0xaf: {  	_ = 	snop  }
0xb0: {  	[tilespmem:s20], [sflag:$0x1] =	stream.indirect_vreg.gather [hbm4b:s0+s3], $0x80, v3, vm0, $0xb8;
	[tilespmem:$0x1C080] =	vst v63  }
0xb1: {  	_ = 	snop  }
0xb2: {  	[tilespmem:s21], [sflag:$0x1] =	stream.indirect_vreg.gather [hbm4b:s4+s3], $0x80, v3, vm0, $0xb8;
	[tilespmem:$0x1C080] =	vst v63  }
0xb3: {  	_ = 	snop  }
0xb4: {  	[tilespmem:s22], [sflag:$0x1] =	stream.indirect_vreg.gather [hbm4b:s5+s3], $0x80, v3, vm0, $0xb8;
	[tilespmem:$0x1C080] =	vst v63  }
0xb5: {  	v3 =	vld [tilespmem:$0x70];
	_ =	sdelay $0x4  }
0xb6: {  	v63 =	vshrl.u32 v3, $0x3  }
0xb7: {  	v4 =	vmul.u32 $0x30, v63  }
0xb8: {  	v3 =	vand.u32 $0x7, v3  }
0xb9: {  	v3 =	vor.u32 v3, v4  }
0xba: {  	v4 =	vperm.xlane v3, v0;
	_ =	sdelay $0x1  }
0xbb: {  	v4 =	vadd.s32 v1, v4;
	_ =	sdelay $0x3  }
0xbc: {  	v3 =	vperm.xlane v3, v2  }
0xbd: {  	[tilespmem:s23], [sflag:$0x1] =	stream.indirect_vreg.gather [hbm4b:s0+s3], $0x80, v4, vm0, $0xb8;
	[tilespmem:$0x1C080] =	vst v63  }
0xbe: {  	v3 =	vadd.s32 v1, v3  }
0xbf: {  	[tilespmem:s24], [sflag:$0x1] =	stream.indirect_vreg.gather [hbm4b:s4+s3], $0x80, v4, vm0, $0xb8;
	[tilespmem:$0x1C080] =	vst v63  }
0xc0: {  	_ = 	snop  }
0xc1: {  	[tilespmem:s25], [sflag:$0x1] =	stream.indirect_vreg.gather [hbm4b:s5+s3], $0x80, v4, vm0, $0xb8;
	[tilespmem:$0x1C080] =	vst v63  }
0xc2: {  	_ = 	snop  }
0xc3: {  	[tilespmem:s26], [sflag:$0x1] =	stream.indirect_vreg.gather [hbm4b:s0+s3], $0x80, v3, vm0, $0xb8;
	[tilespmem:$0x1C080] =	vst v63  }
0xc4: {  	_ = 	snop  }
0xc5: {  	[tilespmem:s28], [sflag:$0x1] =	stream.indirect_vreg.gather [hbm4b:s4+s3], $0x80, v3, vm0, $0xb8;
	[tilespmem:$0x1C080] =	vst v63  }
0xc6: {  	_ = 	snop  }
0xc7: {  	[tilespmem:s29], [sflag:$0x1] =	stream.indirect_vreg.gather [hbm4b:s5+s3], $0x80, v3, vm0, $0xb8;
	[tilespmem:$0x1C080] =	vst v63  }
0xc8: {  	s9 =	rddreg [dreg:$0x6]  }
0xc9: {  	[tilespmem:s30], [sflag:$0x2] =	stream.indirect.gather [hbm4b:s9+s8], $0x80, s3, s8, $0xb8;
	[tilespmem:$0x1C080] =	vst v63  }
0xca: {  	_ =	swait.ge [sflag:s31], $0x18000  }
0xcb: {  	[sflag:s31] =	ssyncset.done $0x0  }
0xcc: {  	s9 =	rddreg [dreg:$0x8];
	[sflag:s31] =	ssyncadd.s32 $0xFFFE8000  }
0xcd: {  	[hbm4b:s9+s3] =	stream.linear.scatter [tilespmem:s8], [sflag:$0x3], $0x18000, $0x38;
	[tilespmem:$0x1C080] =	vst v63  }
0xce: {  	_ =	swait.ge [sflag:s7], $0x18000  }
0xcf: {  	[sflag:s7] =	ssyncset.done $0x0  }
0xd0: {  	[sflag:s7] =	ssyncadd.s32 $0xFFFE8000  }
0xd1: {  	_ =	swait.ge [sflag:s2], $0x4000  }
0xd2: {  	p0 =	sne.s32 s6, $0x1;
	[sflag:s2] =	ssyncset.done $0x0  }
.Ltmp0:
0xd3: {  	s9 =	rddreg [dreg:$0x9];
	[sflag:s2] =	ssyncadd.s32 $0xFFFFC000;
	(pc) =	sbr.rel @p0 .LBB2_1-.Ltmp0, $4  }
0xd4: {  	[hbm4b:s9+s3] =	stream.linear.scatter [tilespmem:s30], [sflag:$0x3], $0x4000, $0x38;
	[tilespmem:$0x1C080] =	vst v63  }
0xd5: {  	_ =	swait.ge [sflag:s7], $0x4000  }
0xd6: {  	[sflag:s7] =	ssyncset.done $0x0  }
0xd7: {  	s6 =	sadd.s32 $0xFFFFFFFF, s6;
	[sflag:s7] =	ssyncadd.s32 $0xFFFFC000  }
0xd8: {  	_ =	sfence.sel $0x180000  }
0xd9: {  	[bflag:$0x0] =	sbarrier.arrive $0xFFFF  }
0xda: {  	_ =	strace $0x90000047  }
0xdb: {  	s0 =	stileid.u32;
	[bflag:$0x2] =	sbarrier.arrive $0xFFFF  }
0xdc: {  	p0 =	sne.s32 s0, $0x0;
	s0 =	rddreg [dreg:$0x5]  }
0xdd: {  	s0 =	sadd.s32 @!p0 $0x100000, s0  }
0xde: {  	[sflag:s0] =	ssyncadd.tile.s32 @!p0 $0x1;
	_ =	shalt  }
.Lfunc_end2:
_tile_overlayer_lowered:
.L_overlay_start_2:
0xdf: {  	(tag) =	ssettag $0x2  }
0xe0: {  	s0 =	rddreg [dreg:$0x0];
	s2 =	stileid.u32  }
0xe1: {  	s1 =	rddreg [dreg:$0x1];
	p0 =	sne.s32 s2, $0x0  }
0xe2: {  	s3 =	rddreg [dreg:$0x2];
	[bflag:$0x3] =	sbarrier.arrive $0xFFFF;
	s2 =	simm.s32 @!p0 $0x1C03  }
0xe3: {  	[timem:s3], [sflag:s2] =	dma.local @!p0 [hbm:s0], s1  }
0xe4: {  	s0 =	simm.s32 @!p0 $0x3  }
0xe5: {  	_ =	swait.ge @!p0 [sflag:s0], s1  }
0xe6: {  	s1 =	ssub.s32 @!p0 $0x0, s1;
	[sflag:s0] =	ssyncset.done @!p0 $0x0  }
0xe7: {  	[sflag:s0] =	ssyncadd.s32 @!p0 s1  }
0xe8: {  	[bflag:$0x3] =	sbarrier.arrive $0xFFFF  }
0xe9: {  	_ =	shalt  }

</sc_bundles>
